<compile_context>
chip_gen: v7x
topology: tpu7x:2x2x1
jax: 0.10.2.dev20260603
libtpu: 0.0.44.dev20260713+nightly
codegen_flags: <defaults>
</compile_context>

<pallas_src>
import functools

import jax
import jax.numpy as jnp
from jax import lax
from jax.experimental import pallas as pl
from jax.experimental.pallas import tpu as pltpu
from jax.experimental.pallas import tpu_sc as plsc

SEQ = 200
BATCH = 4096
VOCAB = 25006
EMB = 100
VPAD = 26624

_NC = 2
_NS = 16
_NW = _NC * _NS
_BPW = BATCH // _NW
_L = 16
_JG = _BPW // _L


def _proj_body(tabT_ref, w_ref, b_ref, out_ref, bias_ref):
    w_col = jnp.transpose(w_ref[...])
    colsum = jnp.sum(tabT_ref[...] * w_col, axis=0) * (1.0 / SEQ)
    out_ref[...] = colsum.reshape(104, 128)
    bias_ref[...] = jnp.full((_L,), b_ref[0], jnp.float32)


def _project_table(tableT, W, b):
    t2d, bias16 = pl.pallas_call(
        _proj_body,
        grid=(2,),
        in_specs=[
            pl.BlockSpec((EMB, 13312), lambda i: (0, i)),
            pl.BlockSpec((1, EMB), lambda i: (0, 0)),
            pl.BlockSpec((1,), lambda i: (0,)),
        ],
        out_specs=[
            pl.BlockSpec((104, 128), lambda i: (i, 0)),
            pl.BlockSpec((_L,), lambda i: (0,)),
        ],
        out_shape=[
            jax.ShapeDtypeStruct((VPAD // 128, 128), jnp.float32),
            jax.ShapeDtypeStruct((_L,), jnp.float32),
        ],
    )(tableT, W, b)
    return t2d.reshape(VPAD), bias16


def _sc_body(x_hbm, t_hbm, bias_hbm, out_hbm, x_v, t_v, bias_v, acc_v,
             sem_t, sem_x0, sem_b):
    wid = lax.axis_index("s") * _NC + lax.axis_index("c")
    base = wid * _BPW
    cp_t = pltpu.make_async_copy(t_hbm, t_v, sem_t)
    cp_x = pltpu.make_async_copy(x_hbm.at[:, pl.ds(base, _BPW)], x_v, sem_x0)
    cp_b = pltpu.make_async_copy(bias_hbm, bias_v, sem_b)
    cp_t.start()
    cp_x.start()
    cp_b.start()
    cp_t.wait()
    cp_x.wait()

    zero = jnp.zeros((_L,), jnp.float32)

    @plsc.parallel_loop(0, SEQ, 1, unroll=4, carry=(zero,) * _JG)
    def accs(s, accs_in):
        new = []
        for j in range(_JG):
            idx = x_v[s, pl.ds(j * _L, _L)]
            new.append(accs_in[j] + plsc.load_gather(t_v, [idx]))
        return tuple(new)

    cp_b.wait()
    bias = bias_v[...]
    for j in range(_JG):
        acc_v[pl.ds(j * _L, _L)] = accs[j] + bias
    pltpu.sync_copy(acc_v, out_hbm.at[pl.ds(base, _BPW)])


@functools.partial(jax.jit, static_argnames=())
def kernel(x, table, W, b):
    t, bias16 = _project_table(table.T, W, b)
    sc = pl.kernel(
        _sc_body,
        out_type=jax.ShapeDtypeStruct((BATCH,), jnp.float32),
        mesh=plsc.VectorSubcoreMesh(core_axis_name="c", subcore_axis_name="s"),
        scratch_types=[
            pltpu.VMEM((SEQ, _BPW), jnp.int32),
            pltpu.VMEM((VPAD,), jnp.float32),
            pltpu.VMEM((_L,), jnp.float32),
            pltpu.VMEM((_BPW,), jnp.float32),
            pltpu.SemaphoreType.DMA,
            pltpu.SemaphoreType.DMA,
            pltpu.SemaphoreType.DMA,
        ],
        compiler_params=pltpu.CompilerParams(needs_layout_passes=False),
    )
    out = sc(x, t, bias16)
    return out.reshape(BATCH, 1, 1)

# --- scband reference (transcript-rebuilt; emitter-appended) ---
"""Pipeline reference for scband-net-48730698941192 (READ-ONLY COPY).

The authoritative reference and input builder live on the scoring server;
editing this copy changes nothing except your own understanding.
"""

import jax, jax.numpy as jnp
import numpy as np

SEQ_LEN = 200
BATCH = 4096
VOCAB = 25006
EMB_DIM = 100

def setup_inputs(seed: int = 0) -> dict:
    key = jax.random.key(seed)
    k1, k2, k3, k4 = jax.random.split(key, 4)
    x = jax.random.randint(k1, (SEQ_LEN, BATCH), 0, VOCAB, dtype=jnp.int64 if jax.config.jax_enable_x64 else jnp.int32)
    table = jax.random.normal(k2, (VOCAB, EMB_DIM), dtype=jnp.float32) * 0.02
    table = table.at[1].set(0.0)  # padding_idx=1
    W = jax.random.normal(k3, (1, EMB_DIM), dtype=jnp.float32) * 0.05
    b = jax.random.normal(k4, (1,), dtype=jnp.float32) * 0.05
    return {"x": x, "table": table, "W": W, "b": b}

def reference(x, table, W, b):
    # nn.Embedding lookup: x [S, B] -> [S, B, D]
    emb = jnp.take(table, x, axis=0)
    # permute(1, 0, 2): [B, S, D]
    emb = jnp.transpose(emb, (1, 0, 2))
    # reshape to [B, 1, S, D] then avg_pool2d with kernel (S, 1) -> mean over S
    pooled = jnp.mean(emb, axis=1, keepdims=True)  # [B, 1, D]
    # squeeze(1) on [B,1,1,D] leaves [B,1,D]; Linear(100 -> 1)
    out = pooled @ W.T + b  # [B, 1, 1]
    return out

if __name__ == "__main__":
    import jax
    _d = setup_inputs()
    print(jax.jit(kernel)(*tuple(_d.values())))

</pallas_src>

<mosaic_0001>
#map = affine_map<(d0, d1) -> (0, 0)>
#map1 = affine_map<(d0, d1) -> (0)>
module attributes {stable_mosaic.version = 14 : i64} {
  func.func @_sc_body(%arg0: i32, %arg1: i32, %arg2: memref<200x4096xi32, #tpu.memory_space<hbm>>, %arg3: memref<26624xf32, #tpu.memory_space<hbm>>, %arg4: memref<16xf32, #tpu.memory_space<hbm>>, %arg5: memref<4096xf32, #tpu.memory_space<hbm>>, %arg6: memref<200x128xi32, #tpu.memory_space<vmem>>, %arg7: memref<26624xf32, #tpu.memory_space<vmem>>, %arg8: memref<16xf32, #tpu.memory_space<vmem>>, %arg9: memref<128xf32, #tpu.memory_space<vmem>>, %arg10: memref<!tpu.dma_semaphore, #tpu.memory_space<semaphore_mem>>, %arg11: memref<!tpu.dma_semaphore, #tpu.memory_space<semaphore_mem>>, %arg12: memref<!tpu.dma_semaphore, #tpu.memory_space<semaphore_mem>>) attributes {dimension_semantics = [#tpu.dimension_semantics<core_parallel>, #tpu.dimension_semantics<subcore_parallel>], iteration_bounds = array<i64: 2, 16>, scalar_prefetch = 0 : i64, scratch_operands = 7 : i64, tpu.core_type = #tpu.core_type<sc_vector_subcore>, window_params = [{transform_indices = #map}, {transform_indices = #map1}, {transform_indices = #map1}, {transform_indices = #map1}]} {
    %mul3A = arith.constant 2 : i32
    %mul3A_0 = arith.muli %arg1, %mul3A : i32
    %add3A = arith.addi %mul3A_0, %arg0 : i32
    %mul3A_1 = arith.constant 128 : i32
    %mul3A_2 = arith.muli %add3A, %mul3A_1 : i32
    tpu.enqueue_dma source(%arg3 : memref<26624xf32, #tpu.memory_space<hbm>>) target(%arg7 : memref<26624xf32, #tpu.memory_space<vmem>>) target_semaphore(%arg10 : memref<!tpu.dma_semaphore, #tpu.memory_space<semaphore_mem>>)
    %dma_start3A = arith.constant 0 : i32
    %dma_start3A_3 = tpu.memref_slice %arg2[%dma_start3A, %mul3A_2] : memref<200x4096xi32, #tpu.memory_space<hbm>> -> memref<200x128xi32, #tpu.memory_space<hbm>>
    %dma_start3A_4 = arith.constant 0 : i32
    %dma_start3A_5 = tpu.memref_slice %arg2[%dma_start3A_4, %mul3A_2] : memref<200x4096xi32, #tpu.memory_space<hbm>> -> memref<200x128xi32, #tpu.memory_space<hbm>>
    tpu.enqueue_dma source(%dma_start3A_5 : memref<200x128xi32, #tpu.memory_space<hbm>>) target(%arg6 : memref<200x128xi32, #tpu.memory_space<vmem>>) target_semaphore(%arg11 : memref<!tpu.dma_semaphore, #tpu.memory_space<semaphore_mem>>)
    tpu.enqueue_dma source(%arg4 : memref<16xf32, #tpu.memory_space<hbm>>) target(%arg8 : memref<16xf32, #tpu.memory_space<vmem>>) target_semaphore(%arg12 : memref<!tpu.dma_semaphore, #tpu.memory_space<semaphore_mem>>)
    tpu.wait_dma2 semaphore(%arg10 : memref<!tpu.dma_semaphore, #tpu.memory_space<semaphore_mem>>) src(%arg3 : memref<26624xf32, #tpu.memory_space<hbm>>) dst(%arg7 : memref<26624xf32, #tpu.memory_space<vmem>>)
    %dma_wait3A = arith.constant 0 : i32
    %dma_wait3A_6 = tpu.memref_slice %arg2[%dma_wait3A, %mul3A_2] : memref<200x4096xi32, #tpu.memory_space<hbm>> -> memref<200x128xi32, #tpu.memory_space<hbm>>
    %dma_wait3A_7 = arith.constant 0 : i32
    %dma_wait3A_8 = tpu.memref_slice %arg2[%dma_wait3A_7, %mul3A_2] : memref<200x4096xi32, #tpu.memory_space<hbm>> -> memref<200x128xi32, #tpu.memory_space<hbm>>
    tpu.wait_dma2 semaphore(%arg11 : memref<!tpu.dma_semaphore, #tpu.memory_space<semaphore_mem>>) src(%dma_wait3A_8 : memref<200x128xi32, #tpu.memory_space<hbm>>) dst(%arg6 : memref<200x128xi32, #tpu.memory_space<vmem>>)
    %broadcast_in_dim3A = arith.constant 0.000000e+00 : f32
    %broadcast_in_dim3A_9 = vector.broadcast %broadcast_in_dim3A : f32 to vector<16xf32>
    %parallel_loop3A = arith.constant 0 : i32
    %parallel_loop3A_10 = arith.constant 200 : i32
    %parallel_loop3A_11 = arith.constant 1 : i32
    %parallel_loop3A_12:8 = scf.for %parallel_loop3A_37 = %parallel_loop3A to %parallel_loop3A_10 step %parallel_loop3A_11 iter_args(%parallel_loop3A_38 = %broadcast_in_dim3A_9, %parallel_loop3A_39 = %broadcast_in_dim3A_9, %parallel_loop3A_40 = %broadcast_in_dim3A_9, %parallel_loop3A_41 = %broadcast_in_dim3A_9, %parallel_loop3A_42 = %broadcast_in_dim3A_9, %parallel_loop3A_43 = %broadcast_in_dim3A_9, %parallel_loop3A_44 = %broadcast_in_dim3A_9, %parallel_loop3A_45 = %broadcast_in_dim3A_9) -> (vector<16xf32>, vector<16xf32>, vector<16xf32>, vector<16xf32>, vector<16xf32>, vector<16xf32>, vector<16xf32>, vector<16xf32>)  : i32 {
      %parallel_loop3A_46 = arith.index_cast %parallel_loop3A_37 : i32 to index
      %parallel_loop3A_47 = arith.constant 0 : index
      %parallel_loop3A_48 = tpu.vector_load %arg6[%parallel_loop3A_46, %parallel_loop3A_47] {strides = array<i32>} : memref<200x128xi32, #tpu.memory_space<vmem>>, vector<16xi32>,
      %parallel_loop3A_49 = tpu.vector_load_idx %arg7[%parallel_loop3A_48] : memref<26624xf32, #tpu.memory_space<vmem>>[vector<16xi32>], vector<16xf32>,
      %parallel_loop3A_50 = arith.addf %parallel_loop3A_38, %parallel_loop3A_49 : vector<16xf32>
      %parallel_loop3A_51 = arith.index_cast %parallel_loop3A_37 : i32 to index
      %parallel_loop3A_52 = arith.constant 16 : index
      %parallel_loop3A_53 = tpu.vector_load %arg6[%parallel_loop3A_51, %parallel_loop3A_52] {strides = array<i32>} : memref<200x128xi32, #tpu.memory_space<vmem>>, vector<16xi32>,
      %parallel_loop3A_54 = tpu.vector_load_idx %arg7[%parallel_loop3A_53] : memref<26624xf32, #tpu.memory_space<vmem>>[vector<16xi32>], vector<16xf32>,
      %parallel_loop3A_55 = arith.addf %parallel_loop3A_39, %parallel_loop3A_54 : vector<16xf32>
      %parallel_loop3A_56 = arith.index_cast %parallel_loop3A_37 : i32 to index
      %parallel_loop3A_57 = arith.constant 32 : index
      %parallel_loop3A_58 = tpu.vector_load %arg6[%parallel_loop3A_56, %parallel_loop3A_57] {strides = array<i32>} : memref<200x128xi32, #tpu.memory_space<vmem>>, vector<16xi32>,
      %parallel_loop3A_59 = tpu.vector_load_idx %arg7[%parallel_loop3A_58] : memref<26624xf32, #tpu.memory_space<vmem>>[vector<16xi32>], vector<16xf32>,
      %parallel_loop3A_60 = arith.addf %parallel_loop3A_40, %parallel_loop3A_59 : vector<16xf32>
      %parallel_loop3A_61 = arith.index_cast %parallel_loop3A_37 : i32 to index
      %parallel_loop3A_62 = arith.constant 48 : index
      %parallel_loop3A_63 = tpu.vector_load %arg6[%parallel_loop3A_61, %parallel_loop3A_62] {strides = array<i32>} : memref<200x128xi32, #tpu.memory_space<vmem>>, vector<16xi32>,
      %parallel_loop3A_64 = tpu.vector_load_idx %arg7[%parallel_loop3A_63] : memref<26624xf32, #tpu.memory_space<vmem>>[vector<16xi32>], vector<16xf32>,
      %parallel_loop3A_65 = arith.addf %parallel_loop3A_41, %parallel_loop3A_64 : vector<16xf32>
      %parallel_loop3A_66 = arith.index_cast %parallel_loop3A_37 : i32 to index
      %parallel_loop3A_67 = arith.constant 64 : index
      %parallel_loop3A_68 = tpu.vector_load %arg6[%parallel_loop3A_66, %parallel_loop3A_67] {strides = array<i32>} : memref<200x128xi32, #tpu.memory_space<vmem>>, vector<16xi32>,
      %parallel_loop3A_69 = tpu.vector_load_idx %arg7[%parallel_loop3A_68] : memref<26624xf32, #tpu.memory_space<vmem>>[vector<16xi32>], vector<16xf32>,
      %parallel_loop3A_70 = arith.addf %parallel_loop3A_42, %parallel_loop3A_69 : vector<16xf32>
      %parallel_loop3A_71 = arith.index_cast %parallel_loop3A_37 : i32 to index
      %parallel_loop3A_72 = arith.constant 80 : index
      %parallel_loop3A_73 = tpu.vector_load %arg6[%parallel_loop3A_71, %parallel_loop3A_72] {strides = array<i32>} : memref<200x128xi32, #tpu.memory_space<vmem>>, vector<16xi32>,
      %parallel_loop3A_74 = tpu.vector_load_idx %arg7[%parallel_loop3A_73] : memref<26624xf32, #tpu.memory_space<vmem>>[vector<16xi32>], vector<16xf32>,
      %parallel_loop3A_75 = arith.addf %parallel_loop3A_43, %parallel_loop3A_74 : vector<16xf32>
      %parallel_loop3A_76 = arith.index_cast %parallel_loop3A_37 : i32 to index
      %parallel_loop3A_77 = arith.constant 96 : index
      %parallel_loop3A_78 = tpu.vector_load %arg6[%parallel_loop3A_76, %parallel_loop3A_77] {strides = array<i32>} : memref<200x128xi32, #tpu.memory_space<vmem>>, vector<16xi32>,
      %parallel_loop3A_79 = tpu.vector_load_idx %arg7[%parallel_loop3A_78] : memref<26624xf32, #tpu.memory_space<vmem>>[vector<16xi32>], vector<16xf32>,
      %parallel_loop3A_80 = arith.addf %parallel_loop3A_44, %parallel_loop3A_79 : vector<16xf32>
      %parallel_loop3A_81 = arith.index_cast %parallel_loop3A_37 : i32 to index
      %parallel_loop3A_82 = arith.constant 112 : index
      %parallel_loop3A_83 = tpu.vector_load %arg6[%parallel_loop3A_81, %parallel_loop3A_82] {strides = array<i32>} : memref<200x128xi32, #tpu.memory_space<vmem>>, vector<16xi32>,
      %parallel_loop3A_84 = tpu.vector_load_idx %arg7[%parallel_loop3A_83] : memref<26624xf32, #tpu.memory_space<vmem>>[vector<16xi32>], vector<16xf32>,
      %parallel_loop3A_85 = arith.addf %parallel_loop3A_45, %parallel_loop3A_84 : vector<16xf32>
      scf.yield %parallel_loop3A_50, %parallel_loop3A_55, %parallel_loop3A_60, %parallel_loop3A_65, %parallel_loop3A_70, %parallel_loop3A_75, %parallel_loop3A_80, %parallel_loop3A_85 : vector<16xf32>, vector<16xf32>, vector<16xf32>, vector<16xf32>, vector<16xf32>, vector<16xf32>, vector<16xf32>, vector<16xf32>
    } {sc.loop_unroll_factor = 4 : i64, sc.parallel_access}
    tpu.wait_dma2 semaphore(%arg12 : memref<!tpu.dma_semaphore, #tpu.memory_space<semaphore_mem>>) src(%arg4 : memref<16xf32, #tpu.memory_space<hbm>>) dst(%arg8 : memref<16xf32, #tpu.memory_space<vmem>>)
    %get3A = arith.constant 0 : index
    %get3A_13 = tpu.vector_load %arg8[%get3A] {strides = array<i32>} : memref<16xf32, #tpu.memory_space<vmem>>, vector<16xf32>,
    %add3A_14 = arith.addf %parallel_loop3A_12#0, %get3A_13 : vector<16xf32>
    %swap3A = arith.constant 0 : index
    %swap3A_15 = tpu.vector_load %arg9[%swap3A] {strides = array<i32>} : memref<128xf32, #tpu.memory_space<vmem>>, vector<16xf32>,
    tpu.vector_store %arg9[%swap3A], %add3A_14 {strides = array<i32>} : memref<128xf32, #tpu.memory_space<vmem>>, vector<16xf32>,
    %add3A_16 = arith.addf %parallel_loop3A_12#1, %get3A_13 : vector<16xf32>
    %swap3A_17 = arith.constant 16 : index
    %swap3A_18 = tpu.vector_load %arg9[%swap3A_17] {strides = array<i32>} : memref<128xf32, #tpu.memory_space<vmem>>, vector<16xf32>,
    tpu.vector_store %arg9[%swap3A_17], %add3A_16 {strides = array<i32>} : memref<128xf32, #tpu.memory_space<vmem>>, vector<16xf32>,
    %add3A_19 = arith.addf %parallel_loop3A_12#2, %get3A_13 : vector<16xf32>
    %swap3A_20 = arith.constant 32 : index
    %swap3A_21 = tpu.vector_load %arg9[%swap3A_20] {strides = array<i32>} : memref<128xf32, #tpu.memory_space<vmem>>, vector<16xf32>,
    tpu.vector_store %arg9[%swap3A_20], %add3A_19 {strides = array<i32>} : memref<128xf32, #tpu.memory_space<vmem>>, vector<16xf32>,
    %add3A_22 = arith.addf %parallel_loop3A_12#3, %get3A_13 : vector<16xf32>
    %swap3A_23 = arith.constant 48 : index
    %swap3A_24 = tpu.vector_load %arg9[%swap3A_23] {strides = array<i32>} : memref<128xf32, #tpu.memory_space<vmem>>, vector<16xf32>,
    tpu.vector_store %arg9[%swap3A_23], %add3A_22 {strides = array<i32>} : memref<128xf32, #tpu.memory_space<vmem>>, vector<16xf32>,
    %add3A_25 = arith.addf %parallel_loop3A_12#4, %get3A_13 : vector<16xf32>
    %swap3A_26 = arith.constant 64 : index
    %swap3A_27 = tpu.vector_load %arg9[%swap3A_26] {strides = array<i32>} : memref<128xf32, #tpu.memory_space<vmem>>, vector<16xf32>,
    tpu.vector_store %arg9[%swap3A_26], %add3A_25 {strides = array<i32>} : memref<128xf32, #tpu.memory_space<vmem>>, vector<16xf32>,
    %add3A_28 = arith.addf %parallel_loop3A_12#5, %get3A_13 : vector<16xf32>
    %swap3A_29 = arith.constant 80 : index
    %swap3A_30 = tpu.vector_load %arg9[%swap3A_29] {strides = array<i32>} : memref<128xf32, #tpu.memory_space<vmem>>, vector<16xf32>,
    tpu.vector_store %arg9[%swap3A_29], %add3A_28 {strides = array<i32>} : memref<128xf32, #tpu.memory_space<vmem>>, vector<16xf32>,
    %add3A_31 = arith.addf %parallel_loop3A_12#6, %get3A_13 : vector<16xf32>
    %swap3A_32 = arith.constant 96 : index
    %swap3A_33 = tpu.vector_load %arg9[%swap3A_32] {strides = array<i32>} : memref<128xf32, #tpu.memory_space<vmem>>, vector<16xf32>,
    tpu.vector_store %arg9[%swap3A_32], %add3A_31 {strides = array<i32>} : memref<128xf32, #tpu.memory_space<vmem>>, vector<16xf32>,
    %add3A_34 = arith.addf %parallel_loop3A_12#7, %get3A_13 : vector<16xf32>
    %swap3A_35 = arith.constant 112 : index
    %swap3A_36 = tpu.vector_load %arg9[%swap3A_35] {strides = array<i32>} : memref<128xf32, #tpu.memory_space<vmem>>, vector<16xf32>,
    tpu.vector_store %arg9[%swap3A_35], %add3A_34 {strides = array<i32>} : memref<128xf32, #tpu.memory_space<vmem>>, vector<16xf32>,
    "tpu.region"() ({
      %run_scoped3A = tpu.sem_alloc : memref<!tpu.dma_semaphore, #tpu.memory_space<semaphore_mem>>
      %dma_start3A_37 = tpu.memref_slice %arg5[%mul3A_2] : memref<4096xf32, #tpu.memory_space<hbm>> -> memref<128xf32, #tpu.memory_space<hbm>>
      %dma_start3A_38 = tpu.memref_slice %arg5[%mul3A_2] : memref<4096xf32, #tpu.memory_space<hbm>> -> memref<128xf32, #tpu.memory_space<hbm>>
      tpu.enqueue_dma source(%arg9 : memref<128xf32, #tpu.memory_space<vmem>>) target(%dma_start3A_38 : memref<128xf32, #tpu.memory_space<hbm>>) target_semaphore(%run_scoped3A : memref<!tpu.dma_semaphore, #tpu.memory_space<semaphore_mem>>)
      %dma_wait3A_39 = tpu.memref_slice %arg5[%mul3A_2] : memref<4096xf32, #tpu.memory_space<hbm>> -> memref<128xf32, #tpu.memory_space<hbm>>
      %dma_wait3A_40 = tpu.memref_slice %arg5[%mul3A_2] : memref<4096xf32, #tpu.memory_space<hbm>> -> memref<128xf32, #tpu.memory_space<hbm>>
      tpu.wait_dma2 semaphore(%run_scoped3A : memref<!tpu.dma_semaphore, #tpu.memory_space<semaphore_mem>>) src(%arg9 : memref<128xf32, #tpu.memory_space<vmem>>) dst(%dma_wait3A_40 : memref<128xf32, #tpu.memory_space<hbm>>)
      tpu.yield
    }) : () -> ()
    return
  }
}

module attributes {stable_mosaic.version = 14 : i64} {
  func.func @_proj_body(%arg0: i32, %arg1: memref<100x13312xf32, #tpu.memory_space<vmem>>, %arg2: memref<1x100xf32, #tpu.memory_space<vmem>>, %arg3: memref<1xf32, #tpu.memory_space<vmem>>, %arg4: memref<104x128xf32, #tpu.memory_space<vmem>>, %arg5: memref<16xf32, #tpu.memory_space<vmem>>) attributes {dimension_semantics = [#tpu.dimension_semantics<arbitrary>], iteration_bounds = array<i64: 2>, scalar_prefetch = 0 : i64, scratch_operands = 0 : i64, tpu.core_type = #tpu.core_type<tc>, window_params = [{transform_indices = @transform_0, window_bounds = array<i64: 100, 13312>}, {pipeline_mode = #tpu.pipeline_mode<synchronous>, transform_indices = @transform_1, window_bounds = array<i64: 1, 100>}, {pipeline_mode = #tpu.pipeline_mode<synchronous>, transform_indices = @transform_2, window_bounds = array<i64: 1>}, {transform_indices = @transform_3, window_bounds = array<i64: 104, 128>}, {pipeline_mode = #tpu.pipeline_mode<synchronous>, transform_indices = @transform_4, window_bounds = array<i64: 16>}]} {
    %get3A = arith.constant 0 : index
    %get3A_0 = arith.constant 0 : index
    %get3A_1 = vector.load %arg2[%get3A, %get3A_0] : memref<1x100xf32, #tpu.memory_space<vmem>>, vector<1x100xf32>
    %transpose3A = tpu.transpose %get3A_1, [1, 0] : vector<1x100xf32> -> vector<100x1xf32>
    %get3A_2 = arith.constant 0 : index
    %get3A_3 = arith.constant 0 : index
    %get3A_4 = vector.load %arg1[%get3A_2, %get3A_3] : memref<100x13312xf32, #tpu.memory_space<vmem>>, vector<100x13312xf32>
    %mul3A = vector.broadcast %transpose3A : vector<100x1xf32> to vector<100x13312xf32>
    %mul3A_5 = arith.mulf %get3A_4, %mul3A : vector<100x13312xf32>
    %reduce_sum3A = arith.constant dense<0.000000e+00> : vector<13312xf32>
    %reduce_sum3A_6 = vector.multi_reduction <add>, %mul3A_5, %reduce_sum3A [0] : vector<100x13312xf32> to vector<13312xf32>
    %mul3A_7 = arith.constant 5.000000e-03 : f32
    %mul3A_8 = vector.broadcast %mul3A_7 : f32 to vector<13312xf32>
    %mul3A_9 = arith.mulf %reduce_sum3A_6, %mul3A_8 : vector<13312xf32>
    %reshape3A = vector.shape_cast %mul3A_9 : vector<13312xf32> to vector<104x128xf32>
    %swap3A = arith.constant 0 : index
    %swap3A_10 = arith.constant 0 : index
    %swap3A_11 = vector.load %arg4[%swap3A, %swap3A_10] : memref<104x128xf32, #tpu.memory_space<vmem>>, vector<104x128xf32>
    tpu.vector_store %arg4[%swap3A, %swap3A_10], %reshape3A {strides = array<i32>} : memref<104x128xf32, #tpu.memory_space<vmem>>, vector<104x128xf32>,
    %get3A_12 = arith.constant 0 : index
    %get3A_13 = vector.load %arg3[%get3A_12] : memref<1xf32, #tpu.memory_space<vmem>>, vector<1xf32>
    %get3A_14 = vector.extract %get3A_13[0] : f32 from vector<1xf32>
    %broadcast_in_dim3A = vector.broadcast %get3A_14 : f32 to vector<16xf32>
    %swap3A_15 = arith.constant 0 : index
    %swap3A_16 = vector.load %arg5[%swap3A_15] : memref<16xf32, #tpu.memory_space<vmem>>, vector<16xf32>
    tpu.vector_store %arg5[%swap3A_15], %broadcast_in_dim3A {strides = array<i32>} : memref<16xf32, #tpu.memory_space<vmem>>, vector<16xf32>,
    return
  }
  func.func @transform_0(%arg0: i32) -> (i32, i32) {
    %c0_i32 = arith.constant 0 : i32
    %c0_i32_0 = arith.constant 0 : i32
    return %c0_i32, %arg0 : i32, i32
  }
  func.func @transform_1(%arg0: i32) -> (i32, i32) {
    %c0_i32 = arith.constant 0 : i32
    %c0_i32_0 = arith.constant 0 : i32
    %c0_i32_1 = arith.constant 0 : i32
    return %c0_i32, %c0_i32_0 : i32, i32
  }
  func.func @transform_2(%arg0: i32) -> i32 {
    %c0_i32 = arith.constant 0 : i32
    %c0_i32_0 = arith.constant 0 : i32
    return %c0_i32 : i32
  }
  func.func @transform_3(%arg0: i32) -> (i32, i32) {
    %c0_i32 = arith.constant 0 : i32
    %c0_i32_0 = arith.constant 0 : i32
    return %arg0, %c0_i32 : i32, i32
  }
  func.func @transform_4(%arg0: i32) -> i32 {
    %c0_i32 = arith.constant 0 : i32
    %c0_i32_0 = arith.constant 0 : i32
    return %c0_i32 : i32
  }
}

</mosaic_0001>

<sc_bundles>
// kernel: kernel.4.cloned.1.call-start
scs
__scs_entry_jumppad:
0x0: {  	(pc) =	sbr.rel $0x88, $3  }
0x1: {  	(tag) =	ssettag $0x0;
	lr =	simm.s32 $0x1  }
0x2: {  	[smem:$0x3F9D] =	sst lr;
	_ =	strace $0xD0000000  }
0x3: {  	_ = 	snop  }
0x4: {  	_ = 	snop  }
0x5: {  	_ = 	snop  }
0x6: {  	_ = 	snop  }
0x7: {  	_ = 	snop  }
__scs_overlays_trampoline_lowered:
0x8: {  	[smem:$0x3FAC] =	sst s0  }
0x9: {  	[smem:$0x3FAD] =	sst s1  }
0xa: {  	[smem:$0x3FAE] =	sst s2  }
0xb: {  	[smem:$0x3FAF] =	sst s3  }
0xc: {  	[smem:$0x3FB0] =	sst s4  }
0xd: {  	[smem:$0x3FB1] =	sst s5  }
0xe: {  	[smem:$0x3FB2] =	sst s6  }
0xf: {  	[smem:$0x3FB3] =	sst s7  }
0x10: {  	[smem:$0x3FB4] =	sst s8  }
0x11: {  	[smem:$0x3FB5] =	sst s9;
	s0 =	simm.s32 @!p0 $0x0  }
0x12: {  	s1 =	sld [smem:$0x3F9B];
	s0 =	simm.s32 @p0 $0x1  }
0x13: {  	[smem:$0x3FB6] =	sst s0;
	s0 =	simm.s32 @!p1 $0x0  }
0x14: {  	s2 =	sld [smem:$0x3F9A];
	s0 =	simm.s32 @p1 $0x1  }
0x15: {  	[smem:$0x3FB7] =	sst s0;
	s0 =	simm.s32 @!p2 $0x0  }
0x16: {  	s3 =	sld [smem:$0x3FDB];
	s0 =	simm.s32 @p2 $0x1  }
0x17: {  	s4 =	simm.s32 $0x1BF5;
	[smem:$0x3FB9] =	sst s0  }
0x18: {  	s0 =	sld [smem:$0x3F9C];
	_ =	swait.ge [sflag:s4], $0x0  }
0x19: {  	s7 =	sld [smem:$0x3F9D]  }
0x1a: {  	s8 =	sadd.s32 $0xFFFFE003, lr  }
0x1b: {  	s9 =	sadd.s32 $0xFFFFFEF7, lr;
	s5 =	simm.s32 $0xFFFFFFFF;
	p2 =	slt.u32 s8, $0xFFFFF086  }
0x1c: {  	p1 =	slt.u32 s9, $0xF7A;
	s5 =	simm.s32 @!p2 $0x0  }
0x1d: {  	s5 =	simm.s32 @p1 $0x1;
	p0 =	seq.s32 s7, s2  }
0x1e: {  	s7 =	smul.u32 @!p0 $0xF7A, s2;
	p2 =	seq.s32 @!p0 s5, $0x0  }
0x1f: {  	s9 =	smul.u32 $0xF7A, s1;
	s8 =	simm.s32 @!p0 $0x1BF5;
	p2 =	por !p2, p0  }
0x20: {  	[sflag:s8] =	ssyncset.s32 @!p0 $0xFFFFF086;
	s6 =	sadd.s32 @!p0 s3, s7;
	s7 =	simm.s32 @!p0 $0x108  }
0x21: {  	s3 =	sadd.s32 s3, s9;
	s6 =	sadd.s32 @!p0 $0x88, s6;
	s7 =	simm.s32 @p2 $0x1082  }
0x22: {  	[simem:s7], [sflag:s8] =	dma.local @!p0 [hbm:s6], $0xF7A  }
0x23: {  	s9 =	sor.u32 $0xD0000000, s2;
	s6 =	simm.s32 $0x108;
	_ =	swait.ge @!p0 [sflag:s8], $0x0  }
0x24: {  	s3 =	sadd.s32 $0x88, s3;
	s6 =	simm.s32 @!p1 $0x1082;
	[sflag:s4] =	ssyncset.s32 $0xFFFFF086  }
0x25: {  	[simem:s6], [sflag:s4] =	dma.local [hbm:s3], $0xF7A  }
0x26: {  	[smem:$0x3F9D] =	sst s1;
	(tag) =	ssettag s2;
	_ =	strace s9  }
0x27: {  	s1 =	sld [smem:$0x3FAD]  }
0x28: {  	s2 =	sld [smem:$0x3FAE]  }
0x29: {  	s4 =	sld [smem:$0x3FB0]  }
0x2a: {  	p0 =	seq.s32 s5, $0x0;
	s5 =	sld [smem:$0x3FB1]  }
0x2b: {  	s6 =	sld [smem:$0x3FB2]  }
0x2c: {  	s7 =	sld [smem:$0x3FB3]  }
0x2d: {  	s3 =	simm.s32 $0x108;
	s8 =	sld [smem:$0x3FB4]  }
0x2e: {  	s3 =	simm.s32 @!p0 $0x1082;
	s9 =	sld [smem:$0x3FB5]  }
0x2f: {  	lr =	sadd.s32 s0, s3;
	s0 =	sld [smem:$0x3FAC]  }
0x30: {  	s3 =	sld [smem:$0x3FAF]  }
0x31: {  	[smem:$0x3FB8] =	sst s10  }
0x32: {  	s10 =	sld [smem:$0x3FB6];
	_ =	sdelay $0x3  }
0x33: {  	p0 =	seq.s32 s10, $0x1;
	s10 =	sld [smem:$0x3FB8];
	_ =	sdelay $0x3  }
0x34: {  	[smem:$0x3FB8] =	sst s10  }
0x35: {  	s10 =	sld [smem:$0x3FB7];
	_ =	sdelay $0x3  }
0x36: {  	p1 =	seq.s32 s10, $0x1;
	s10 =	sld [smem:$0x3FB8];
	_ =	sdelay $0x3  }
0x37: {  	[smem:$0x3FB8] =	sst s10  }
0x38: {  	s10 =	sld [smem:$0x3FB9]  }
0x39: {  	_ = 	snop;
	(pc) =	sbr.ind lr, $3  }
0x3a: {  	_ = 	snop  }
0x3b: {  	_ = 	snop  }
0x3c: {  	p2 =	seq.s32 s10, $0x1;
	s10 =	sld [smem:$0x3FB8]  }
0x3d: {  	_ =	shalt  }
0x3e: {  	_ =	shalt  }
0x3f: {  	_ =	shalt  }
0x40: {  	_ =	shalt  }
0x41: {  	_ =	shalt  }
0x42: {  	_ =	shalt  }
0x43: {  	_ =	shalt  }
0x44: {  	_ =	shalt  }
0x45: {  	_ =	shalt  }
0x46: {  	_ =	shalt  }
0x47: {  	_ =	shalt  }
0x48: {  	_ =	shalt  }
0x49: {  	_ =	shalt  }
0x4a: {  	_ =	shalt  }
0x4b: {  	_ =	shalt  }
0x4c: {  	_ =	shalt  }
0x4d: {  	_ =	shalt  }
0x4e: {  	_ =	shalt  }
0x4f: {  	_ =	shalt  }
0x50: {  	_ =	shalt  }
0x51: {  	_ =	shalt  }
0x52: {  	_ =	shalt  }
0x53: {  	_ =	shalt  }
0x54: {  	_ =	shalt  }
0x55: {  	_ =	shalt  }
0x56: {  	_ =	shalt  }
0x57: {  	_ =	shalt  }
0x58: {  	_ =	shalt  }
0x59: {  	_ =	shalt  }
0x5a: {  	_ =	shalt  }
0x5b: {  	_ =	shalt  }
0x5c: {  	_ =	shalt  }
0x5d: {  	_ =	shalt  }
0x5e: {  	_ =	shalt  }
0x5f: {  	_ =	shalt  }
0x60: {  	_ =	shalt  }
0x61: {  	_ =	shalt  }
0x62: {  	_ =	shalt  }
0x63: {  	_ =	shalt  }
0x64: {  	_ =	shalt  }
0x65: {  	_ =	shalt  }
0x66: {  	_ =	shalt  }
0x67: {  	_ =	shalt  }
0x68: {  	_ =	shalt  }
0x69: {  	_ =	shalt  }
0x6a: {  	_ =	shalt  }
0x6b: {  	_ =	shalt  }
0x6c: {  	_ =	shalt  }
0x6d: {  	_ =	shalt  }
0x6e: {  	_ =	shalt  }
0x6f: {  	_ =	shalt  }
0x70: {  	_ =	shalt  }
0x71: {  	_ =	shalt  }
0x72: {  	_ =	shalt  }
0x73: {  	_ =	shalt  }
0x74: {  	_ =	shalt  }
0x75: {  	_ =	shalt  }
0x76: {  	_ =	shalt  }
0x77: {  	_ =	shalt  }
0x78: {  	_ =	shalt  }
0x79: {  	_ =	shalt  }
0x7a: {  	_ =	shalt  }
0x7b: {  	_ =	shalt  }
0x7c: {  	_ =	shalt  }
0x7d: {  	_ =	shalt  }
0x7e: {  	_ =	shalt  }
0x7f: {  	_ =	shalt  }
0x80: {  	_ =	shalt  }
0x81: {  	_ =	shalt  }
0x82: {  	_ =	shalt  }
0x83: {  	_ =	shalt  }
0x84: {  	_ =	shalt  }
0x85: {  	_ =	shalt  }
0x86: {  	_ =	shalt  }
0x87: {  	_ =	shalt  }
.Lfunc_end0:
.L_simem_size_0:
called_computation_lowered:
.L_overlay_start_0:
0x88: {  	s2 =	sld [smem:$0x3FD9]  }
0x89: {  	s3 =	sld [smem:$0x3FFE];
	_ =	sdelay $0x1  }
0x8a: {  	s1 =	srdreg.scid  }
0x8b: {  	s0 =	sand.u32 $0x1, s1  }
0x8c: {  	s17 =	sshll.u32 s0, $0xA;
	s2 =	sadd.s32 s3, s2  }
0x8d: {  	s2 =	sadd.s32 s2, s17  }
0x8e: {  	[smem:$0x3FC4] =	sst s2  }
0x8f: {  	_ = 	snop  }
0x90: {  	s2 =	sld [smem:$0x3FC9]  }
0x91: {  	s18 =	sld [smem:$0x3FD0];
	(tm) =	ssettm $0x1  }
0x92: {  	s4 =	sld [smem:$0x3FFB];
	_ =	sdelay $0x3  }
0x93: {  	_ =	strace s4  }
0x94: {  	s4 =	sld [smem:$0x3FFC];
	_ =	sdelay $0x3  }
0x95: {  	_ =	strace s4  }
0x96: {  	s4 =	sld [smem:$0x3FFD];
	_ =	sdelay $0x3  }
0x97: {  	_ =	strace s4  }
0x98: {  	_ =	strace $0x8FFFFFFF  }
0x99: {  	s19 =	sld [smem:$0x3FDB];
	_ =	sdelay $0x1  }
0x9a: {  	s5 =	simm.s32 $_scs_section_size  }
0x9b: {  	s6 =	simm.s32 $_size__tile_overlayer_lowered;
	s7 =	simm.s32 $_tile_overlayer_lowered  }
0x9c: {  	s22 =	simm.s32 $0x1BFF;
	s21 =	sshll.u32 s7, $0x1;
	s4 =	sadd.s32 s5, s19  }
0x9d: {  	s8 =	simm.s32 $0x0;
	s20 =	sshll.u32 s6, $0x1;
	s6 =	sadd.s32 s21, s4  }
0x9e: {  	[timem:s8], [sflag:s22] =	dma.local [hbm:s6], s20  }
0x9f: {  	_ =	swait.ge [sflag:s22], s20  }
0xa0: {  	s5 =	ssub.s32 $0x0, s20;
	[sflag:s22] =	ssyncset.done $0x0  }
0xa1: {  	[sflag:s22] =	ssyncadd.s32 s5;
	_ =	sdelay $0x1  }
0xa2: {  	s23 =	simm.s32 $0x1B8B  }
0xa3: {  	_ =	swait.ge [sflag:s23], $0x1  }
0xa4: {  	[sflag:s23] =	ssyncset.done $0x0  }
0xa5: {  	s25 =	simm.s32 $0x1B8E;
	s24 =	sld [smem:$0x3FFE];
	[sflag:s23] =	ssyncadd.s32 $0xFFFFFFFF  }
0xa6: {  	s26 =	simm.s32 $execute0_lowered;
	[smem:$0x3FD2] =	sst s25  }
0xa7: {  	s6 =	sshll.u32 s26, $0x1;
	_ =	strace $0x80000046;
	[dreg:$0x1] =	wrdreg $0xFFFFFFFF  }
0xa8: {  	s28 =	simm.s32 $_size_execute0_lowered;
	s4 =	sadd.s32 s4, s6;
	[dreg:$0x0] =	wrdreg $0x0  }
0xa9: {  	s6 =	sshll.u32 s28, $0x1;
	[dreg:$0x2] =	wrdreg s4  }
0xaa: {  	[dreg:$0x3] =	wrdreg s6  }
0xab: {  	[dreg:$0x4] =	wrdreg $0xC0  }
0xac: {  	_ =	task [dreg:s8], $0x5FFFF  }
0xad: {  	[dreg:$0x1] =	wrdreg $0xFFFFFFFF  }
0xae: {  	[dreg:$0x0] =	wrdreg $0x60  }
0xaf: {  	[dreg:$0x2] =	wrdreg s2  }
0xb0: {  	[dreg:$0x3] =	wrdreg s24  }
0xb1: {  	[dreg:$0x4] =	wrdreg s18  }
0xb2: {  	[dreg:$0x5] =	wrdreg $0x9  }
0xb3: {  	_ =	task.clear_ibuf [dreg:s8], $0x6FFFF;
	_ =	strace $0x90000046  }
0xb4: {  	s29 =	simm.s32 $0x9;
	_ =	strace $0x80000048  }
0xb5: {  	_ =	swait.ge [sflag:s29], $0x1  }
0xb6: {  	[sflag:s29] =	ssyncadd.s32 $0xFFFFFFFF  }
0xb7: {  	_ =	strace $0x90000048  }
0xb8: {  	_ =	sfence  }
0xb9: {  	s30 =	sld [smem:$0x0];
	_ =	sdelay $0x2  }
0xba: {  	s31 =	sshll.u32 s1, $0xD;
	s1 =	sshrl.u32 s1, $0x2  }
0xbb: {  	s3 =	sand.u32 $0x4000, s31;
	s1 =	sadd.s32 s1, s30  }
0xbc: {  	s0 =	sor.u32 s3, s0;
	s1 =	sshll.u32 s1, $0x11  }
0xbd: {  	s0 =	sor.u32 s1, s0  }
0xbe: {  	s0 =	sadd.s32 $0x8F2B, s0  }
0xbf: {  	[sflag:s0] =	ssyncadd.remote.s32 $0x1  }
0xc0: {  	_ =	sfence.sel $0xFFFF  }
0xc1: {  	[dreg:$0x0] =	wrdreg $0xFFFFFFFF;
	(pc) =	sbr.abs _section_cstart, $3  }
0xc2: {  	[dreg:$0x1] =	wrdreg $0xFFFFFFFF  }
0xc3: {  	_ =	task.clear_ibuf [dreg:s8], $0x2FFFF;
	_ =	strace $0x9FFFFFFF  }
0xc4: {  	(tm) =	ssettm $0x7FFFFFFF  }
0xc5: {  	_ =	shalt  }
tec
execute0_lowered:
.L_overlay_start_1:
0x0: {  	(tag) =	ssettag $0x1  }
0x1: {  	s5 =	rddreg [dreg:$0x0]  }
0x2: {  	s4 =	rddreg [dreg:$0x1]  }
0x3: {  	s6 =	rddreg [dreg:$0x2]  }
0x4: {  	s0 =	rddreg [dreg:$0x3];
	s2 =	simm.s32 $0x0  }
0x5: {  	s3 =	srdreg.scid;
	s1 =	stileid.u32;
	s11 =	simm.s32 $0xCC00  }
0x6: {  	s12 =	simm.s32 $0x1;
	s13 =	simm.s32 $0x2;
	s14 =	simm.s32 $0x3  }
0x7: {  	s15 =	simm.s32 $0xCC80;
	s16 =	simm.s32 $0x4;
	s17 =	simm.s32 $0x0  }
0x8: {  	[smem:$0x7FF] =	sst s2;
	s7 =	sand.u32 $0x1, s3;
	s8 =	sshll.u32 s1, $0x1  }
0x9: {  	s3 =	sadd.s32 $0xE00, s4;
	s4 =	sadd.s32 $0x1C00, s4;
	s9 =	ssub.s32 $0x2, s7  }
0xa: {  	_ =	strace $0x80000047;
	s7 =	sor.u32 s7, s8;
	s31 =	sshrl.u32 s9, $0x1  }
0xb: {  	s10 =	sshll.u32 s7, $0x7;
	s7 =	sshll.u32 s7, $0x4;
	s8 =	ssub.s32 s9, s31  }
0xc: {  	s5 =	sadd.s32 s5, s10;
	s6 =	sadd.s32 s6, s7;
	s9 =	simm.s32 $0x400  }
0xd: {  	s10 =	simm.s32 $0x8000;
	s7 =	smax.u32 s8, $0x1;
	s8 =	simm.s32 $0x6400  }
.LBB2_1:
0xe: {  	[tilespmem:s8], [sflag:$0x1] =	stream.linear.gather [hbm4b:s3+s2], $0x6800, $0x38;
	[tilespmem:$0xCD00] =	vst v63  }
0xf: {  	_ = 	snop  }
0x10: {  	[tilespmem:s2], [sflag:$0x2] =	stream.strided.gather [hbm4b:s5+s9], $0x6400, s10, s9, $0x38;
	[tilespmem:$0xCD00] =	vst v63  }
0x11: {  	_ = 	snop  }
0x12: {  	[tilespmem:s11], [sflag:$0x3] =	stream.linear.gather [hbm4b:s4+s2], $0x80, $0x38;
	[tilespmem:$0xCD00] =	vst v63  }
0x13: {  	_ =	swait.ge [sflag:s12], $0x6800  }
0x14: {  	[sflag:s12] =	ssyncset.done $0x0  }
0x15: {  	[sflag:s12] =	ssyncadd.s32 $0xFFFF9800  }
0x16: {  	_ =	swait.ge [sflag:s13], $0x6400  }
0x17: {  	[sflag:s13] =	ssyncset.done $0x0  }
0x18: {  	s18 =	simm.s32 $0x100;
	[sflag:s13] =	ssyncadd.s32 $0xFFFF9C00  }
0x19: {  	v0 =	vld [tilespmem:s18+$0x80]  }
0x1a: {  	v1 =	vld [tilespmem:s18+$0x90]  }
0x1b: {  	v2 =	vld [tilespmem:s18+$0xA0]  }
0x1c: {  	v3 =	vld [tilespmem:s18+$0xB0]  }
0x1d: {  	v4 =	vld [tilespmem:s18+$0xC0]  }
0x1e: {  	v6 =	vld [tilespmem:s18+$0xD0]  }
0x1f: {  	v8 =	vld [tilespmem:s18+$0xE0]  }
0x20: {  	v9 =	vld [tilespmem:s18+$0xF0]  }
0x21: {  	v7 =	vld [tilespmem:s18+$0x0]  }
0x22: {  	v10 =	vld [tilespmem:s18+$0x10]  }
0x23: {  	v11 =	vld [tilespmem:s18+$0x20]  }
0x24: {  	v12 =	vld [tilespmem:s18+$0x30]  }
0x25: {  	v13 =	vld [tilespmem:s18+$0x40]  }
0x26: {  	v14 =	vld [tilespmem:s18+$0x50]  }
0x27: {  	v17 =	vld [tilespmem:s18+$0x60]  }
0x28: {  	v19 =	vld [tilespmem:s18+$0x70]  }
0x29: {  	v15 =	vld [tilespmem:s18+$0xFFFFFF80]  }
0x2a: {  	v16 =	vld [tilespmem:s18+$0xFFFFFF90]  }
0x2b: {  	v18 =	vld [tilespmem:s18+$0xFFFFFFA0]  }
0x2c: {  	v20 =	vld [tilespmem:s18+$0xFFFFFFB0]  }
0x2d: {  	v21 =	vld [tilespmem:s18+$0xFFFFFFC0]  }
0x2e: {  	v22 =	vld [tilespmem:s18+$0xFFFFFFD0]  }
0x2f: {  	v23 =	vld [tilespmem:s18+$0xFFFFFFE0]  }
0x30: {  	v24 =	vld [tilespmem:s18+$0xFFFFFFF0]  }
0x31: {  	v25 =	vld [tilespmem:s18+$0xFFFFFF00]  }
0x32: {  	v26 =	vld [tilespmem:s18+$0xFFFFFF10]  }
0x33: {  	v27 =	vld [tilespmem:s18+$0xFFFFFF20]  }
0x34: {  	v28 =	vld [tilespmem:s18+$0xFFFFFF30]  }
0x35: {  	v29 =	vld [tilespmem:s18+$0xFFFFFF40]  }
0x36: {  	v30 =	vld [tilespmem:s18+$0xFFFFFF50]  }
0x37: {  	v31 =	vld [tilespmem:s18+$0xFFFFFF60]  }
0x38: {  	v32 =	vld [tilespmem:s18+$0xFFFFFF70]  }
0x39: {  	v0 =	vld.idx.msk [tilespmem:v0+s8+$0x0], $0xffff  }
0x3a: {  	v1 =	vld.idx.msk [tilespmem:v1+s8+$0x0], $0xffff  }
0x3b: {  	v33 =	vld.idx.msk [tilespmem:v2+s8+$0x0], $0xffff  }
0x3c: {  	v34 =	vld.idx.msk [tilespmem:v3+s8+$0x0], $0xffff  }
0x3d: {  	v5 =	vld.idx.msk [tilespmem:v4+s8+$0x0], $0xffff  }
0x3e: {  	v3 =	vld.idx.msk [tilespmem:v6+s8+$0x0], $0xffff  }
0x3f: {  	v2 =	vld.idx.msk [tilespmem:v7+s8+$0x0], $0xffff  }
0x40: {  	v4 =	vld.idx.msk [tilespmem:v10+s8+$0x0], $0xffff  }
0x41: {  	v6 =	vld.idx.msk [tilespmem:v11+s8+$0x0], $0xffff  }
0x42: {  	v7 =	vld.idx.msk [tilespmem:v12+s8+$0x0], $0xffff  }
0x43: {  	v11 =	vld.idx.msk [tilespmem:v13+s8+$0x0], $0xffff  }
0x44: {  	v13 =	vld.idx.msk [tilespmem:v14+s8+$0x0], $0xffff  }
0x45: {  	v10 =	vld.idx.msk [tilespmem:v15+s8+$0x0], $0xffff  }
0x46: {  	v12 =	vld.idx.msk [tilespmem:v16+s8+$0x0], $0xffff  }
0x47: {  	v16 =	vld.idx.msk [tilespmem:v25+s8+$0x0], $0xffff  }
0x48: {  	v58 =	vld.idx.msk [tilespmem:v26+s8+$0x0], $0xffff  }
0x49: {  	v59 =	vld.idx.msk [tilespmem:v27+s8+$0x0], $0xffff  }
0x4a: {  	v60 =	vld.idx.msk [tilespmem:v28+s8+$0x0], $0xffff  }
0x4b: {  	v18 =	vld.idx.msk [tilespmem:v18+s8+$0x0], $0xffff  }
0x4c: {  	v20 =	vld.idx.msk [tilespmem:v20+s8+$0x0], $0xffff  }
0x4d: {  	v14 =	vld.idx.msk [tilespmem:v21+s8+$0x0], $0xffff  }
0x4e: {  	v21 =	vimm.f32 $0.0e+00;
	v15 =	vld.idx.msk [tilespmem:v22+s8+$0x0], $0xffff  }
0x4f: {  	v61 =	vld.idx.msk [tilespmem:v29+s8+$0x0], $0xffff;
	v16 =	vadd.f32 v16, v21;
	v22 =	vadd.f32 v58, v21  }
0x50: {  	v62 =	vld.idx.msk [tilespmem:v30+s8+$0x0], $0xffff;
	v26 =	vadd.f32 v59, v21;
	v27 =	vadd.f32 v60, v21  }
0x51: {  	v63 =	vld.idx.msk [tilespmem:v31+s8+$0x0], $0xffff;
	v10 =	vadd.f32 v10, v16;
	v12 =	vadd.f32 v12, v22  }
0x52: {  	v17 =	vld.idx.msk [tilespmem:v17+s8+$0x0], $0xffff;
	v26 =	vadd.f32 v18, v26;
	v20 =	vadd.f32 v20, v27  }
0x53: {  	v22 =	vld.idx.msk [tilespmem:v32+s8+$0x0], $0xffff;
	v2 =	vadd.f32 v2, v10;
	v10 =	vadd.f32 v4, v12  }
0x54: {  	v16 =	vld.idx.msk [tilespmem:v23+s8+$0x0], $0xffff;
	v6 =	vadd.f32 v6, v26;
	v7 =	vadd.f32 v7, v20  }
0x55: {  	v18 =	vld.idx.msk [tilespmem:v24+s8+$0x0], $0xffff;
	v4 =	vadd.f32 v0, v2;
	v2 =	vadd.f32 v1, v10  }
0x56: {  	v19 =	vld.idx.msk [tilespmem:v19+s8+$0x0], $0xffff;
	v1 =	vadd.f32 v33, v6;
	v0 =	vadd.f32 v34, v7  }
0x57: {  	v9 =	vld.idx.msk [tilespmem:v9+s8+$0x0], $0xffff;
	v6 =	vadd.f32 v61, v21;
	v7 =	vadd.f32 v62, v21  }
0x58: {  	s19 =	simm.s32 $0x300;
	s18 =	simm.s32 $0x0;
	v12 =	vld.idx.msk [tilespmem:v8+s8+$0x0], $0xffff;
	v8 =	vadd.f32 v63, v21;
	v20 =	vadd.f32 v22, v21  }
.LBB2_2:
0x59: {  	v21 =	vld [tilespmem:s19+$0x80];
	v6 =	vadd.f32 v14, v6;
	v7 =	vadd.f32 v15, v7  }
0x5a: {  	v14 =	vld [tilespmem:s19+$0x90];
	v8 =	vadd.f32 v16, v8;
	v10 =	vadd.f32 v18, v20  }
0x5b: {  	v15 =	vld [tilespmem:s19+$0xA0];
	v6 =	vadd.f32 v11, v6;
	v7 =	vadd.f32 v13, v7  }
0x5c: {  	v11 =	vld [tilespmem:s19+$0xB0];
	v8 =	vadd.f32 v17, v8;
	v10 =	vadd.f32 v19, v10  }
0x5d: {  	v13 =	vld [tilespmem:s19+$0xC0];
	v6 =	vadd.f32 v5, v6;
	v7 =	vadd.f32 v3, v7  }
0x5e: {  	v3 =	vld [tilespmem:s19+$0xD0];
	v8 =	vadd.f32 v12, v8;
	v9 =	vadd.f32 v9, v10  }
0x5f: {  	v12 =	vld [tilespmem:s19+$0xE0]  }
0x60: {  	v10 =	vld [tilespmem:s19+$0xF0]  }
0x61: {  	v16 =	vld [tilespmem:s19+$0x0]  }
0x62: {  	v17 =	vld [tilespmem:s19+$0x10]  }
0x63: {  	v18 =	vld [tilespmem:s19+$0x20]  }
0x64: {  	v19 =	vld [tilespmem:s19+$0x30]  }
0x65: {  	v20 =	vld [tilespmem:s19+$0x40]  }
0x66: {  	v22 =	vld [tilespmem:s19+$0x50]  }
0x67: {  	v23 =	vld [tilespmem:s19+$0x60]  }
0x68: {  	v24 =	vld [tilespmem:s19+$0x70]  }
0x69: {  	v25 =	vld [tilespmem:s19+$0xFFFFFF80]  }
0x6a: {  	v26 =	vld [tilespmem:s19+$0xFFFFFF90]  }
0x6b: {  	v27 =	vld [tilespmem:s19+$0xFFFFFFA0]  }
0x6c: {  	v28 =	vld [tilespmem:s19+$0xFFFFFFB0]  }
0x6d: {  	v29 =	vld [tilespmem:s19+$0xFFFFFFC0]  }
0x6e: {  	v30 =	vld [tilespmem:s19+$0xFFFFFFD0]  }
0x6f: {  	v31 =	vld [tilespmem:s19+$0xFFFFFFE0]  }
0x70: {  	v32 =	vld [tilespmem:s19+$0xFFFFFFF0]  }
0x71: {  	v33 =	vld [tilespmem:s19+$0xFFFFFF00]  }
0x72: {  	v34 =	vld [tilespmem:s19+$0xFFFFFF10]  }
0x73: {  	v35 =	vld [tilespmem:s19+$0xFFFFFF20]  }
0x74: {  	v36 =	vld [tilespmem:s19+$0xFFFFFF30]  }
0x75: {  	v37 =	vld [tilespmem:s19+$0xFFFFFF40]  }
0x76: {  	v38 =	vld [tilespmem:s19+$0xFFFFFF50]  }
0x77: {  	v39 =	vld [tilespmem:s19+$0xFFFFFF60]  }
0x78: {  	v40 =	vld [tilespmem:s19+$0xFFFFFF70]  }
0x79: {  	v21 =	vld.idx.msk [tilespmem:v21+s8+$0x0], $0xffff  }
0x7a: {  	v41 =	vld.idx.msk [tilespmem:v14+s8+$0x0], $0xffff  }
0x7b: {  	v42 =	vld.idx.msk [tilespmem:v15+s8+$0x0], $0xffff  }
0x7c: {  	v43 =	vld.idx.msk [tilespmem:v11+s8+$0x0], $0xffff  }
0x7d: {  	v5 =	vld.idx.msk [tilespmem:v13+s8+$0x0], $0xffff  }
0x7e: {  	v3 =	vld.idx.msk [tilespmem:v3+s8+$0x0], $0xffff  }
0x7f: {  	v44 =	vld.idx.msk [tilespmem:v16+s8+$0x0], $0xffff  }
0x80: {  	v17 =	vld.idx.msk [tilespmem:v17+s8+$0x0], $0xffff  }
0x81: {  	v45 =	vld.idx.msk [tilespmem:v18+s8+$0x0], $0xffff  }
0x82: {  	v19 =	vld.idx.msk [tilespmem:v19+s8+$0x0], $0xffff  }
0x83: {  	v11 =	vld.idx.msk [tilespmem:v20+s8+$0x0], $0xffff  }
0x84: {  	v13 =	vld.idx.msk [tilespmem:v22+s8+$0x0], $0xffff  }
0x85: {  	v16 =	vld.idx.msk [tilespmem:v25+s8+$0x0], $0xffff  }
0x86: {  	v18 =	vld.idx.msk [tilespmem:v26+s8+$0x0], $0xffff  }
0x87: {  	v20 =	vld.idx.msk [tilespmem:v33+s8+$0x0], $0xffff  }
0x88: {  	v22 =	vld.idx.msk [tilespmem:v34+s8+$0x0], $0xffff  }
0x89: {  	v25 =	vld.idx.msk [tilespmem:v35+s8+$0x0], $0xffff  }
0x8a: {  	s18 =	sadd.s32 $0x4, s18;
	v26 =	vld.idx.msk [tilespmem:v36+s8+$0x0], $0xffff  }
0x8b: {  	p0 =	slt.u32 s18, $0xC4;
	v27 =	vld.idx.msk [tilespmem:v27+s8+$0x0], $0xffff  }
0x8c: {  	v28 =	vld.idx.msk [tilespmem:v28+s8+$0x0], $0xffff  }
0x8d: {  	v14 =	vld.idx.msk [tilespmem:v29+s8+$0x0], $0xffff  }
0x8e: {  	v15 =	vld.idx.msk [tilespmem:v30+s8+$0x0], $0xffff  }
0x8f: {  	v4 =	vadd.f32 v20, v4;
	v2 =	vadd.f32 v22, v2;
	v20 =	vld.idx.msk [tilespmem:v37+s8+$0x0], $0xffff  }
0x90: {  	v1 =	vadd.f32 v25, v1;
	v0 =	vadd.f32 v26, v0;
	v22 =	vld.idx.msk [tilespmem:v38+s8+$0x0], $0xffff  }
0x91: {  	v4 =	vadd.f32 v16, v4;
	v2 =	vadd.f32 v18, v2;
	v25 =	vld.idx.msk [tilespmem:v39+s8+$0x0], $0xffff  }
0x92: {  	v1 =	vadd.f32 v27, v1;
	v0 =	vadd.f32 v28, v0;
	v26 =	vld.idx.msk [tilespmem:v40+s8+$0x0], $0xffff  }
0x93: {  	v4 =	vadd.f32 v44, v4;
	v2 =	vadd.f32 v17, v2;
	v16 =	vld.idx.msk [tilespmem:v31+s8+$0x0], $0xffff  }
.Ltmp0:
0x94: {  	v1 =	vadd.f32 v45, v1;
	v0 =	vadd.f32 v19, v0;
	v18 =	vld.idx.msk [tilespmem:v32+s8+$0x0], $0xffff;
	(pc) =	sbr.rel @p0 .LBB2_2-.Ltmp0, $4  }
0x95: {  	v4 =	vadd.f32 v21, v4;
	v2 =	vadd.f32 v41, v2;
	v17 =	vld.idx.msk [tilespmem:v23+s8+$0x0], $0xffff  }
0x96: {  	v1 =	vadd.f32 v42, v1;
	v0 =	vadd.f32 v43, v0;
	v19 =	vld.idx.msk [tilespmem:v24+s8+$0x0], $0xffff  }
0x97: {  	v6 =	vadd.f32 v20, v6;
	v7 =	vadd.f32 v22, v7;
	v12 =	vld.idx.msk [tilespmem:v12+s8+$0x0], $0xffff  }
0x98: {  	s19 =	sadd.s32 $0x200, s19;
	v8 =	vadd.f32 v25, v8;
	v20 =	vadd.f32 v26, v9;
	v9 =	vld.idx.msk [tilespmem:v10+s8+$0x0], $0xffff  }
0x99: {  	_ =	swait.ge [sflag:s14], $0x80  }
0x9a: {  	[sflag:s14] =	ssyncset.done $0x0  }
0x9b: {  	[sflag:s14] =	ssyncadd.s32 $0xFFFFFF80  }
0x9c: {  	v10 =	vld [tilespmem:$0xCC00];
	_ =	sdelay $0x1  }
0x9d: {  	v6 =	vadd.f32 v14, v6;
	v7 =	vadd.f32 v15, v7  }
0x9e: {  	v8 =	vadd.f32 v16, v8;
	v56 =	vadd.f32 v18, v20  }
0x9f: {  	v6 =	vadd.f32 v11, v6;
	v7 =	vadd.f32 v13, v7  }
0xa0: {  	v8 =	vadd.f32 v17, v8;
	v4 =	vadd.f32 v10, v4  }
0xa1: {  	v57 =	vadd.f32 v19, v56;
	v2 =	vadd.f32 v10, v2  }
0xa2: {  	v5 =	vadd.f32 v5, v6;
	v1 =	vadd.f32 v10, v1;
	[tilespmem:$0xCC80] =	vst v4  }
0xa3: {  	v3 =	vadd.f32 v3, v7;
	v0 =	vadd.f32 v10, v0;
	[tilespmem:$0xCC90] =	vst v2  }
0xa4: {  	v58 =	vadd.f32 v12, v8;
	v59 =	vadd.f32 v10, v5;
	[tilespmem:$0xCCA0] =	vst v1  }
0xa5: {  	v60 =	vadd.f32 v9, v57;
	v61 =	vadd.f32 v10, v3;
	[tilespmem:$0xCCB0] =	vst v0  }
0xa6: {  	v62 =	vadd.f32 v10, v58;
	[tilespmem:$0xCCC0] =	vst v59  }
0xa7: {  	s17 =	sadd.s32 $0x1, s17;
	v63 =	vadd.f32 v10, v60;
	[tilespmem:$0xCCD0] =	vst v61  }
0xa8: {  	p0 =	sne.s32 s17, s7;
	[tilespmem:$0xCCE0] =	vst v62  }
.Ltmp1:
0xa9: {  	[tilespmem:$0xCCF0] =	vst v63;
	(pc) =	sbr.rel @p0 .LBB2_1-.Ltmp1, $4  }
0xaa: {  	[hbm4b:s6+s2] =	stream.linear.scatter [tilespmem:s15], [sflag:$0x4], $0x80, $0x38;
	[tilespmem:$0xCD00] =	vst v63  }
0xab: {  	_ =	swait.ge [sflag:s16], $0x80  }
0xac: {  	[sflag:s16] =	ssyncset.done $0x0  }
0xad: {  	[sflag:s16] =	ssyncadd.s32 $0xFFFFFF80  }
0xae: {  	_ =	sfence.sel $0x180000  }
0xaf: {  	[bflag:$0x0] =	sbarrier.arrive $0xFFFF  }
0xb0: {  	p0 =	sne.s32 s1, $0x0;
	_ =	strace $0x90000047  }
0xb1: {  	s0 =	sadd.s32 @!p0 $0x100000, s0;
	[bflag:$0x2] =	sbarrier.arrive $0xFFFF  }
0xb2: {  	[sflag:s0] =	ssyncadd.tile.s32 @!p0 $0x1;
	_ =	shalt  }
.Lfunc_end2:
_tile_overlayer_lowered:
.L_overlay_start_2:
0xb3: {  	(tag) =	ssettag $0x2  }
0xb4: {  	s0 =	rddreg [dreg:$0x0];
	s2 =	stileid.u32  }
0xb5: {  	s1 =	rddreg [dreg:$0x1];
	p0 =	sne.s32 s2, $0x0  }
0xb6: {  	s3 =	rddreg [dreg:$0x2];
	[bflag:$0x3] =	sbarrier.arrive $0xFFFF;
	s2 =	simm.s32 @!p0 $0x1C04  }
0xb7: {  	[timem:s3], [sflag:s2] =	dma.local @!p0 [hbm:s0], s1  }
0xb8: {  	s0 =	simm.s32 @!p0 $0x4  }
0xb9: {  	_ =	swait.ge @!p0 [sflag:s0], s1  }
0xba: {  	s1 =	ssub.s32 @!p0 $0x0, s1;
	[sflag:s0] =	ssyncset.done @!p0 $0x0  }
0xbb: {  	[sflag:s0] =	ssyncadd.s32 @!p0 s1  }
0xbc: {  	[bflag:$0x3] =	sbarrier.arrive $0xFFFF  }
0xbd: {  	_ =	shalt  }

</sc_bundles>
